<compile_context>
chip_gen: v7x
topology: tpu7x:2x2x1
jax: 0.10.2.dev20260603
libtpu: 0.0.44.dev20260713+nightly
codegen_flags: <defaults>
</compile_context>

<pallas_src>
import functools

import jax
import jax.numpy as jnp
from jax import lax
from jax.experimental import pallas as pl
from jax.experimental.pallas import tpu as pltpu
from jax.experimental.pallas import tpu_sc as plsc

N_NODES = 10000
NP = 10240
TOT = NP * NP
NC, NS = 2, 16
ROWS_PER_CORE = NP // NC
E_PAD = 327680


def _build_adjacency(edge_index_padded):
    mesh = plsc.VectorSubcoreMesh(core_axis_name="c", subcore_axis_name="s")
    ept = E_PAD // (NC * NS)

    @functools.partial(
        pl.kernel,
        out_type=(),
        mesh=mesh,
        scratch_types=[
            pltpu.VMEM((2 * ept,), jnp.float32),
            pltpu.VMEM((ept,), jnp.int32),
            pltpu.VMEM((ept,), jnp.int32),
            pltpu.VMEM((2 * ept,), jnp.int32),
            pltpu.SemaphoreType.DMA,
        ],
    )
    def build(edge_hbm, a_hbm, ones_v, src_v, dst_v, idx_v, sem):
        c = lax.axis_index("c")
        s = lax.axis_index("s")
        w = s * NC + c

        @pl.loop(0, 2 * ept // 16)
        def _(i):
            ones_v[pl.ds(i * 16, 16)] = jnp.ones((16,), jnp.float32)

        ebase = w * ept
        pltpu.sync_copy(edge_hbm.at[0, pl.ds(ebase, ept)], src_v)
        pltpu.sync_copy(edge_hbm.at[1, pl.ds(ebase, ept)], dst_v)

        @pl.loop(0, ept // 16)
        def _(r):
            sv = src_v[pl.ds(r * 16, 16)]
            dv = dst_v[pl.ds(r * 16, 16)]
            idx_v[pl.ds(r * 32, 16)] = sv * NP + dv
            idx_v[pl.ds(r * 32 + 16, 16)] = dv * NP + sv

        pltpu.async_copy(ones_v, a_hbm.at[idx_v], sem).wait()

    a_ref = jax.new_ref(jnp.zeros((TOT,), jnp.float32))
    build(edge_index_padded, a_ref)
    return jax.freeze(a_ref)


def _deg_g1(a2, xp, w1):
    BM, BK = 256, 2048
    nk = NP // BK
    din, h = w1.shape

    def body(a_ref, x_ref, w_ref, d_ref, g_ref, gb_ref, ab_ref, acc):
        k = pl.program_id(1)

        @pl.when(k == 0)
        def _():
            acc[...] = jnp.zeros_like(acc)

        a = a_ref[...]
        ab_ref[...] = a.astype(jnp.bfloat16)
        acc[...] += jnp.sum(a, axis=1, keepdims=True)

        @pl.when(k == nk - 1)
        def _():
            dinv = lax.rsqrt(acc[...] + 1.0)
            d_ref[...] = dinv
            g = dinv * jnp.dot(x_ref[...], w_ref[...],
                               preferred_element_type=jnp.float32)
            g_ref[...] = g
            gb_ref[...] = g.astype(jnp.bfloat16)

    return pl.pallas_call(
        body,
        grid=(NP // BM, nk),
        in_specs=[
            pl.BlockSpec((BM, BK), lambda i, k: (i, k)),
            pl.BlockSpec((BM, din), lambda i, k: (i, 0)),
            pl.BlockSpec((din, h), lambda i, k: (0, 0)),
        ],
        out_specs=[
            pl.BlockSpec((BM, 1), lambda i, k: (i, 0)),
            pl.BlockSpec((BM, h), lambda i, k: (i, 0)),
            pl.BlockSpec((BM, h), lambda i, k: (i, 0)),
            pl.BlockSpec((BM, BK), lambda i, k: (i, k)),
        ],
        out_shape=[
            jax.ShapeDtypeStruct((NP, 1), jnp.float32),
            jax.ShapeDtypeStruct((NP, h), jnp.float32),
            jax.ShapeDtypeStruct((NP, h), jnp.bfloat16),
            jax.ShapeDtypeStruct((NP, NP), jnp.bfloat16),
        ],
        scratch_shapes=[pltpu.VMEM((BM, 1), jnp.float32)],
        compiler_params=pltpu.CompilerParams(
            dimension_semantics=("parallel", "arbitrary")),
    )(a2, xp, w1)


def _conv_layer(a_bf16, gb, gf, dinv_col, bias_row, relu, mask_rows):
    BM, BK = 256, 2048
    h = gb.shape[1]
    nk = NP // BK

    def body(a_ref, g_ref, gf_ref, d_ref, b_ref, o_ref, acc):
        i = pl.program_id(0)
        k = pl.program_id(1)
        p = jnp.dot(a_ref[...], g_ref[pl.ds(k * BK, BK), :],
                    preferred_element_type=jnp.float32)

        @pl.when(k == 0)
        def _():
            acc[...] = p

        @pl.when(k > 0)
        def _():
            acc[...] += p

        @pl.when(k == nk - 1)
        def _():
            r = d_ref[...] * (acc[...] + gf_ref[...]) + b_ref[...]
            if relu:
                r = jnp.maximum(r, 0.0)
            if mask_rows:
                rows = i * BM + lax.broadcasted_iota(jnp.int32, (BM, 1), 0)
                r = jnp.where(rows < N_NODES, r, 0.0)
            o_ref[...] = r

    return pl.pallas_call(
        body,
        grid=(NP // BM, nk),
        in_specs=[
            pl.BlockSpec((BM, BK), lambda i, k: (i, k)),
            pl.BlockSpec((NP, h), lambda i, k: (0, 0)),
            pl.BlockSpec((BM, h), lambda i, k: (i, 0)),
            pl.BlockSpec((BM, 1), lambda i, k: (i, 0)),
            pl.BlockSpec((1, h), lambda i, k: (0, 0)),
        ],
        out_specs=pl.BlockSpec((BM, h), lambda i, k: (i, 0)),
        out_shape=jax.ShapeDtypeStruct((NP, h), jnp.float32),
        scratch_shapes=[pltpu.VMEM((BM, h), jnp.float32)],
        compiler_params=pltpu.CompilerParams(
            dimension_semantics=("parallel", "arbitrary")),
    )(a_bf16, gb, gf, dinv_col, bias_row)


def _g2(h1, w2, dinv_col):
    BM = 512
    din, h = w2.shape

    def body(x_ref, w_ref, d_ref, o_ref, ob_ref):
        g = d_ref[...] * jnp.dot(x_ref[...], w_ref[...],
                                 preferred_element_type=jnp.float32)
        o_ref[...] = g
        ob_ref[...] = g.astype(jnp.bfloat16)

    return pl.pallas_call(
        body,
        grid=(NP // BM,),
        in_specs=[
            pl.BlockSpec((BM, din), lambda i: (i, 0)),
            pl.BlockSpec((din, h), lambda i: (0, 0)),
            pl.BlockSpec((BM, 1), lambda i: (i, 0)),
        ],
        out_specs=[
            pl.BlockSpec((BM, h), lambda i: (i, 0)),
            pl.BlockSpec((BM, h), lambda i: (i, 0)),
        ],
        out_shape=[
            jax.ShapeDtypeStruct((NP, h), jnp.float32),
            jax.ShapeDtypeStruct((NP, h), jnp.bfloat16),
        ],
    )(h1, w2, dinv_col)


def kernel(x, edge_index, W1, b1, W2, b2):
    n = x.shape[0]
    e = edge_index.shape[1]
    j = jnp.arange(E_PAD - e, dtype=jnp.int32)
    pad_src = N_NODES + (j % (NP - N_NODES))
    pad_dst = N_NODES + ((j // (NP - N_NODES)) % (NP - N_NODES))
    ei = jnp.concatenate(
        [edge_index, jnp.stack([pad_src, pad_dst])], axis=1)
    a2 = _build_adjacency(ei).reshape(NP, NP)
    xp = jnp.pad(x, ((0, NP - n), (0, 0)))
    dinv, g1, g1b, a_bf16 = _deg_g1(a2, xp, W1)
    h1 = _conv_layer(a_bf16, g1b, g1, dinv, b1.reshape(1, -1),
                     relu=True, mask_rows=True)
    g2, g2b = _g2(h1, W2, dinv)
    out = _conv_layer(a_bf16, g2b, g2, dinv, b2.reshape(1, -1),
                      relu=False, mask_rows=False)
    return out[:n]

# --- scband reference (transcript-rebuilt; emitter-appended) ---
"""Pipeline reference for scband-gnnencoder-43516608643606 (READ-ONLY COPY).

The authoritative reference and input builder live on the scoring server;
editing this copy changes nothing except your own understanding.
"""

import jax, jax.numpy as jnp
import numpy as np

N = 10000
E = 320000
D_IN = 128
H1 = 256
D_OUT = 128


def setup_inputs(seed: int = 0) -> dict:
    key = jax.random.key(seed)
    k1, k2, k3, k4, k5, k6 = jax.random.split(key, 6)
    x = jax.random.normal(k1, (N, D_IN), dtype=jnp.float32)
    edge_index = jax.random.randint(k2, (2, E), 0, N, dtype=jnp.int32)
    # GCNConv parameters (glorot-ish scale)
    W1 = jax.random.normal(k3, (D_IN, H1), dtype=jnp.float32) * (1.0 / np.sqrt(D_IN))
    b1 = jnp.zeros((H1,), dtype=jnp.float32)
    W2 = jax.random.normal(k4, (H1, D_OUT), dtype=jnp.float32) * (1.0 / np.sqrt(H1))
    b2 = jnp.zeros((D_OUT,), dtype=jnp.float32)
    return {"x": x, "edge_index": edge_index, "W1": W1, "b1": b1, "W2": W2, "b2": b2}


def _preprocess_edges(edge_index, num_nodes):
    # to_undirected: add reversed edges and coalesce (dedup)
    src = edge_index[0]
    dst = edge_index[1]
    s = jnp.concatenate([src, dst])
    d = jnp.concatenate([dst, src])
    keys = s * num_nodes + d  # fits in int32 for N=10000
    sk = jnp.sort(keys)
    first = jnp.concatenate([jnp.ones((1,), dtype=bool), sk[1:] != sk[:-1]])
    us = sk // num_nodes
    ud = sk % num_nodes
    # add_self_loops (appends a loop for every node)
    loop = jnp.arange(num_nodes, dtype=us.dtype)
    src2 = jnp.concatenate([us, loop])
    dst2 = jnp.concatenate([ud, loop])
    w = jnp.concatenate([first, jnp.ones((num_nodes,), dtype=bool)])
    return src2, dst2, w


def _gcn_conv(x, W, b, src, dst, w, num_nodes):
    # GCNConv: out = D^{-1/2} (A+I applied upstream) D^{-1/2} X W + b
    h = x @ W
    wf = w.astype(x.dtype)
    deg = jnp.zeros((num_nodes,), dtype=x.dtype).at[dst].add(wf)
    dinv = jnp.where(deg > 0, jax.lax.rsqrt(deg), 0.0)
    norm = dinv[src] * dinv[dst] * wf
    msg = h[src] * norm[:, None]
    out = jnp.zeros((num_nodes, h.shape[1]), dtype=x.dtype).at[dst].add(msg)
    return out + b


def reference(x, edge_index, W1, b1, W2, b2):
    num_nodes = x.shape[0]
    src, dst, w = _preprocess_edges(edge_index, num_nodes)
    # Dropout(p=0.0) in eval mode is identity
    h = _gcn_conv(x, W1, b1, src, dst, w, num_nodes)
    h = jax.nn.relu(h)
    # Dropout identity
    out = _gcn_conv(h, W2, b2, src, dst, w, num_nodes)
    return out

if __name__ == "__main__":
    import jax
    _d = setup_inputs()
    print(jax.jit(kernel)(*tuple(_d.values())))

</pallas_src>

<mosaic_0001>
#map = affine_map<(d0, d1) -> (0, 0)>
#map1 = affine_map<(d0, d1) -> (0)>
module attributes {stable_mosaic.version = 14 : i64} {
  func.func @new_body(%arg0: i32, %arg1: i32, %arg2: memref<2x327680xi32, #tpu.memory_space<hbm>>, %arg3: memref<104857600xf32, #tpu.memory_space<hbm>>, %arg4: memref<104857600xf32, #tpu.memory_space<hbm>>, %arg5: memref<20480xf32, #tpu.memory_space<vmem>>, %arg6: memref<10240xi32, #tpu.memory_space<vmem>>, %arg7: memref<10240xi32, #tpu.memory_space<vmem>>, %arg8: memref<20480xi32, #tpu.memory_space<vmem>>, %arg9: memref<!tpu.dma_semaphore, #tpu.memory_space<semaphore_mem>>) attributes {dimension_semantics = [#tpu.dimension_semantics<core_parallel>, #tpu.dimension_semantics<subcore_parallel>], iteration_bounds = array<i64: 2, 16>, scalar_prefetch = 0 : i64, scratch_operands = 5 : i64, tpu.core_type = #tpu.core_type<sc_vector_subcore>, window_params = [{transform_indices = #map}, {transform_indices = #map1}, {transform_indices = #map1}]} {
    %mul3A = arith.constant 2 : i32
    %mul3A_0 = arith.muli %arg1, %mul3A : i32
    %add3A = arith.addi %mul3A_0, %arg0 : i32
    %scan3A = arith.constant 0 : i32
    %scan3A_1 = arith.constant 1280 : i32
    %scan3A_2 = arith.addi %scan3A, %scan3A_1 : i32
    %scan3A_3 = arith.constant 1 : i32
    scf.for %scan3A_15 = %scan3A to %scan3A_2 step %scan3A_3  : i32 {
      %mul3A_16 = arith.constant 1 : i32
      %mul3A_17 = arith.muli %scan3A_15, %mul3A_16 : i32
      %add3A_18 = arith.constant 0 : i32
      %add3A_19 = arith.addi %add3A_18, %mul3A_17 : i32
      %broadcast_in_dim3A = arith.constant 1.000000e+00 : f32
      %broadcast_in_dim3A_20 = vector.broadcast %broadcast_in_dim3A : f32 to vector<16xf32>
      %mul3A_21 = arith.constant 16 : i32
      %mul3A_22 = arith.muli %add3A_19, %mul3A_21 : i32
      %swap3A = arith.index_cast %mul3A_22 : i32 to index
      %swap3A_23 = tpu.vector_load %arg5[%swap3A] {strides = array<i32>} : memref<20480xf32, #tpu.memory_space<vmem>>, vector<16xf32>,
      %swap3A_24 = vector.shape_cast %swap3A_23 : vector<16xf32> to vector<16xf32>
      %swap3A_25 = vector.shape_cast %broadcast_in_dim3A_20 : vector<16xf32> to vector<16xf32>
      tpu.vector_store %arg5[%swap3A], %swap3A_25 {strides = array<i32>} : memref<20480xf32, #tpu.memory_space<vmem>>, vector<16xf32>,
    }
    %scan3A_4 = arith.constant 1280 : i32
    %mul3A_5 = arith.constant 10240 : i32
    %mul3A_6 = arith.muli %add3A, %mul3A_5 : i32
    %run_scoped3A = arith.constant 0 : i32
    "tpu.region"() ({
      %run_scoped3A_15 = tpu.sem_alloc : memref<!tpu.dma_semaphore, #tpu.memory_space<semaphore_mem>>
      %dma_start3A_16 = tpu.memref_slice %arg2[%run_scoped3A, %mul3A_6] : memref<2x327680xi32, #tpu.memory_space<hbm>> -> memref<1x10240xi32, #tpu.memory_space<hbm>>
      %dma_start3A_17 = tpu.memref_squeeze %dma_start3A_16 : memref<1x10240xi32, #tpu.memory_space<hbm>> -> memref<10240xi32, #tpu.memory_space<hbm>>
      %dma_start3A_18 = tpu.memref_slice %arg2[%run_scoped3A, %mul3A_6] : memref<2x327680xi32, #tpu.memory_space<hbm>> -> memref<1x10240xi32, #tpu.memory_space<hbm>>
      %dma_start3A_19 = tpu.memref_squeeze %dma_start3A_18 : memref<1x10240xi32, #tpu.memory_space<hbm>> -> memref<10240xi32, #tpu.memory_space<hbm>>
      tpu.enqueue_dma source(%dma_start3A_19 : memref<10240xi32, #tpu.memory_space<hbm>>) target(%arg6 : memref<10240xi32, #tpu.memory_space<vmem>>) target_semaphore(%run_scoped3A_15 : memref<!tpu.dma_semaphore, #tpu.memory_space<semaphore_mem>>)
      %dma_wait3A_20 = tpu.memref_slice %arg2[%run_scoped3A, %mul3A_6] : memref<2x327680xi32, #tpu.memory_space<hbm>> -> memref<1x10240xi32, #tpu.memory_space<hbm>>
      %dma_wait3A_21 = tpu.memref_squeeze %dma_wait3A_20 : memref<1x10240xi32, #tpu.memory_space<hbm>> -> memref<10240xi32, #tpu.memory_space<hbm>>
      %dma_wait3A_22 = tpu.memref_slice %arg2[%run_scoped3A, %mul3A_6] : memref<2x327680xi32, #tpu.memory_space<hbm>> -> memref<1x10240xi32, #tpu.memory_space<hbm>>
      %dma_wait3A_23 = tpu.memref_squeeze %dma_wait3A_22 : memref<1x10240xi32, #tpu.memory_space<hbm>> -> memref<10240xi32, #tpu.memory_space<hbm>>
      tpu.wait_dma2 semaphore(%run_scoped3A_15 : memref<!tpu.dma_semaphore, #tpu.memory_space<semaphore_mem>>) src(%dma_wait3A_23 : memref<10240xi32, #tpu.memory_space<hbm>>) dst(%arg6 : memref<10240xi32, #tpu.memory_space<vmem>>)
      tpu.yield
    }) : () -> ()
    %run_scoped3A_7 = arith.constant 1 : i32
    "tpu.region"() ({
      %run_scoped3A_15 = tpu.sem_alloc : memref<!tpu.dma_semaphore, #tpu.memory_space<semaphore_mem>>
      %dma_start3A_16 = tpu.memref_slice %arg2[%run_scoped3A_7, %mul3A_6] : memref<2x327680xi32, #tpu.memory_space<hbm>> -> memref<1x10240xi32, #tpu.memory_space<hbm>>
      %dma_start3A_17 = tpu.memref_squeeze %dma_start3A_16 : memref<1x10240xi32, #tpu.memory_space<hbm>> -> memref<10240xi32, #tpu.memory_space<hbm>>
      %dma_start3A_18 = tpu.memref_slice %arg2[%run_scoped3A_7, %mul3A_6] : memref<2x327680xi32, #tpu.memory_space<hbm>> -> memref<1x10240xi32, #tpu.memory_space<hbm>>
      %dma_start3A_19 = tpu.memref_squeeze %dma_start3A_18 : memref<1x10240xi32, #tpu.memory_space<hbm>> -> memref<10240xi32, #tpu.memory_space<hbm>>
      tpu.enqueue_dma source(%dma_start3A_19 : memref<10240xi32, #tpu.memory_space<hbm>>) target(%arg7 : memref<10240xi32, #tpu.memory_space<vmem>>) target_semaphore(%run_scoped3A_15 : memref<!tpu.dma_semaphore, #tpu.memory_space<semaphore_mem>>)
      %dma_wait3A_20 = tpu.memref_slice %arg2[%run_scoped3A_7, %mul3A_6] : memref<2x327680xi32, #tpu.memory_space<hbm>> -> memref<1x10240xi32, #tpu.memory_space<hbm>>
      %dma_wait3A_21 = tpu.memref_squeeze %dma_wait3A_20 : memref<1x10240xi32, #tpu.memory_space<hbm>> -> memref<10240xi32, #tpu.memory_space<hbm>>
      %dma_wait3A_22 = tpu.memref_slice %arg2[%run_scoped3A_7, %mul3A_6] : memref<2x327680xi32, #tpu.memory_space<hbm>> -> memref<1x10240xi32, #tpu.memory_space<hbm>>
      %dma_wait3A_23 = tpu.memref_squeeze %dma_wait3A_22 : memref<1x10240xi32, #tpu.memory_space<hbm>> -> memref<10240xi32, #tpu.memory_space<hbm>>
      tpu.wait_dma2 semaphore(%run_scoped3A_15 : memref<!tpu.dma_semaphore, #tpu.memory_space<semaphore_mem>>) src(%dma_wait3A_23 : memref<10240xi32, #tpu.memory_space<hbm>>) dst(%arg7 : memref<10240xi32, #tpu.memory_space<vmem>>)
      tpu.yield
    }) : () -> ()
    %scan3A_8 = arith.constant 0 : i32
    %scan3A_9 = arith.constant 640 : i32
    %scan3A_10 = arith.addi %scan3A_8, %scan3A_9 : i32
    %scan3A_11 = arith.constant 1 : i32
    scf.for %scan3A_15 = %scan3A_8 to %scan3A_10 step %scan3A_11  : i32 {
      %mul3A_16 = arith.constant 1 : i32
      %mul3A_17 = arith.muli %scan3A_15, %mul3A_16 : i32
      %add3A_18 = arith.constant 0 : i32
      %add3A_19 = arith.addi %add3A_18, %mul3A_17 : i32
      %mul3A_20 = arith.constant 16 : i32
      %mul3A_21 = arith.muli %add3A_19, %mul3A_20 : i32
      %get3A = arith.index_cast %mul3A_21 : i32 to index
      %get3A_22 = tpu.vector_load %arg6[%get3A] {strides = array<i32>} : memref<10240xi32, #tpu.memory_space<vmem>>, vector<16xi32>,
      %get3A_23 = vector.shape_cast %get3A_22 : vector<16xi32> to vector<16xi32>
      %mul3A_24 = arith.constant 16 : i32
      %mul3A_25 = arith.muli %add3A_19, %mul3A_24 : i32
      %get3A_26 = arith.index_cast %mul3A_25 : i32 to index
      %get3A_27 = tpu.vector_load %arg7[%get3A_26] {strides = array<i32>} : memref<10240xi32, #tpu.memory_space<vmem>>, vector<16xi32>,
      %get3A_28 = vector.shape_cast %get3A_27 : vector<16xi32> to vector<16xi32>
      %mul3A_29 = arith.constant 10240 : i32
      %mul3A_30 = vector.broadcast %mul3A_29 : i32 to vector<16xi32>
      %mul3A_31 = arith.muli %get3A_23, %mul3A_30 : vector<16xi32>
      %add3A_32 = arith.addi %mul3A_31, %get3A_28 : vector<16xi32>
      %mul3A_33 = arith.constant 32 : i32
      %mul3A_34 = arith.muli %add3A_19, %mul3A_33 : i32
      %swap3A = arith.index_cast %mul3A_34 : i32 to index
      %swap3A_35 = tpu.vector_load %arg8[%swap3A] {strides = array<i32>} : memref<20480xi32, #tpu.memory_space<vmem>>, vector<16xi32>,
      %swap3A_36 = vector.shape_cast %swap3A_35 : vector<16xi32> to vector<16xi32>
      %swap3A_37 = vector.shape_cast %add3A_32 : vector<16xi32> to vector<16xi32>
      tpu.vector_store %arg8[%swap3A], %swap3A_37 {strides = array<i32>} : memref<20480xi32, #tpu.memory_space<vmem>>, vector<16xi32>,
      %mul3A_38 = arith.constant 10240 : i32
      %mul3A_39 = vector.broadcast %mul3A_38 : i32 to vector<16xi32>
      %mul3A_40 = arith.muli %get3A_28, %mul3A_39 : vector<16xi32>
      %add3A_41 = arith.addi %mul3A_40, %get3A_23 : vector<16xi32>
      %mul3A_42 = arith.constant 32 : i32
      %mul3A_43 = arith.muli %add3A_19, %mul3A_42 : i32
      %add3A_44 = arith.constant 16 : i32
      %add3A_45 = arith.addi %mul3A_43, %add3A_44 : i32
      %swap3A_46 = arith.index_cast %add3A_45 : i32 to index
      %swap3A_47 = tpu.vector_load %arg8[%swap3A_46] {strides = array<i32>} : memref<20480xi32, #tpu.memory_space<vmem>>, vector<16xi32>,
      %swap3A_48 = vector.shape_cast %swap3A_47 : vector<16xi32> to vector<16xi32>
      %swap3A_49 = vector.shape_cast %add3A_41 : vector<16xi32> to vector<16xi32>
      tpu.vector_store %arg8[%swap3A_46], %swap3A_49 {strides = array<i32>} : memref<20480xi32, #tpu.memory_space<vmem>>, vector<16xi32>,
    }
    %scan3A_12 = arith.constant 640 : i32
    %dma_start3A = arith.constant 0 : i32
    %dma_start3A_13 = tpu.memref_slice %arg3[%dma_start3A] : memref<104857600xf32, #tpu.memory_space<hbm>> -> memref<104857600xf32, #tpu.memory_space<hbm>>
    tpu.enqueue_indirect_dma source(%arg5 : memref<20480xf32, #tpu.memory_space<vmem>>) target(%dma_start3A_13 : memref<104857600xf32, #tpu.memory_space<hbm>>) offsets(%arg8 : memref<20480xi32, #tpu.memory_space<vmem>>) semaphore(%arg9 : memref<!tpu.dma_semaphore, #tpu.memory_space<semaphore_mem>>)
    %dma_wait3A = arith.constant 0 : i32
    %dma_wait3A_14 = tpu.memref_slice %arg3[%dma_wait3A] : memref<104857600xf32, #tpu.memory_space<hbm>> -> memref<104857600xf32, #tpu.memory_space<hbm>>
    tpu.wait_indirect_dma semaphore(%arg9 : memref<!tpu.dma_semaphore, #tpu.memory_space<semaphore_mem>>) src(%arg5 : memref<20480xf32, #tpu.memory_space<vmem>>) dst(%dma_wait3A_14 : memref<104857600xf32, #tpu.memory_space<hbm>>)
    return
  }
}

module attributes {stable_mosaic.version = 14 : i64} {
  func.func @body(%arg0: i32, %arg1: i32, %arg2: memref<256x2048xf32, #tpu.memory_space<vmem>>, %arg3: memref<256x128xf32, #tpu.memory_space<vmem>>, %arg4: memref<128x256xf32, #tpu.memory_space<vmem>>, %arg5: memref<256x1xf32, #tpu.memory_space<vmem>>, %arg6: memref<256x256xf32, #tpu.memory_space<vmem>>, %arg7: memref<256x256xbf16, #tpu.memory_space<vmem>>, %arg8: memref<256x2048xbf16, #tpu.memory_space<vmem>>, %arg9: memref<256x1xf32, #tpu.memory_space<vmem>>) attributes {dimension_semantics = [#tpu.dimension_semantics<parallel>, #tpu.dimension_semantics<arbitrary>], iteration_bounds = array<i64: 40, 5>, scalar_prefetch = 0 : i64, scratch_operands = 1 : i64, tpu.core_type = #tpu.core_type<tc>, window_params = [{transform_indices = @transform_0, window_bounds = array<i64: 256, 2048>}, {transform_indices = @transform_1, window_bounds = array<i64: 256, 128>}, {pipeline_mode = #tpu.pipeline_mode<synchronous>, transform_indices = @transform_2, window_bounds = array<i64: 128, 256>}, {transform_indices = @transform_3, window_bounds = array<i64: 256, 1>}, {transform_indices = @transform_4, window_bounds = array<i64: 256, 256>}, {transform_indices = @transform_5, window_bounds = array<i64: 256, 256>}, {transform_indices = @transform_6, window_bounds = array<i64: 256, 2048>}]} {
    %eq3A = arith.constant 0 : i32
    %eq3A_0 = arith.cmpi eq, %arg1, %eq3A : i32
    %convert_element_type3A = arith.extui %eq3A_0 : i1 to i32
    %cond3A = arith.constant 0 : i32
    %cond3A_1 = arith.cmpi ne, %convert_element_type3A, %cond3A : i32
    scf.if %cond3A_1 {
      %broadcast_in_dim3A_19 = arith.constant 0.000000e+00 : f32
      %broadcast_in_dim3A_20 = vector.broadcast %broadcast_in_dim3A_19 : f32 to vector<256x1xf32>
      %swap3A_21 = arith.constant 0 : index
      %swap3A_22 = arith.constant 0 : index
      %swap3A_23 = vector.load %arg9[%swap3A_21, %swap3A_22] : memref<256x1xf32, #tpu.memory_space<vmem>>, vector<256x1xf32>
      tpu.vector_store %arg9[%swap3A_21, %swap3A_22], %broadcast_in_dim3A_20 {strides = array<i32>} : memref<256x1xf32, #tpu.memory_space<vmem>>, vector<256x1xf32>,
    } else {
    }
    %get3A = arith.constant 0 : index
    %get3A_2 = arith.constant 0 : index
    %get3A_3 = vector.load %arg2[%get3A, %get3A_2] : memref<256x2048xf32, #tpu.memory_space<vmem>>, vector<256x2048xf32>
    %convert_element_type3A_4 = arith.truncf %get3A_3 : vector<256x2048xf32> to vector<256x2048xbf16>
    %swap3A = arith.constant 0 : index
    %swap3A_5 = arith.constant 0 : index
    %swap3A_6 = vector.load %arg8[%swap3A, %swap3A_5] : memref<256x2048xbf16, #tpu.memory_space<vmem>>, vector<256x2048xbf16>
    tpu.vector_store %arg8[%swap3A, %swap3A_5], %convert_element_type3A_4 {strides = array<i32>} : memref<256x2048xbf16, #tpu.memory_space<vmem>>, vector<256x2048xbf16>,
    %get3A_7 = arith.constant 0 : index
    %get3A_8 = arith.constant 0 : index
    %get3A_9 = vector.load %arg9[%get3A_7, %get3A_8] : memref<256x1xf32, #tpu.memory_space<vmem>>, vector<256x1xf32>
    %reduce_sum3A = arith.constant dense<0.000000e+00> : vector<256xf32>
    %reduce_sum3A_10 = vector.multi_reduction <add>, %get3A_3, %reduce_sum3A [1] : vector<256x2048xf32> to vector<256xf32>
    %broadcast_in_dim3A = vector.shape_cast %reduce_sum3A_10 : vector<256xf32> to vector<256x1xf32>
    %add3A = arith.addf %get3A_9, %broadcast_in_dim3A : vector<256x1xf32>
    %swap3A_11 = arith.constant 0 : index
    %swap3A_12 = arith.constant 0 : index
    %swap3A_13 = vector.load %arg9[%swap3A_11, %swap3A_12] : memref<256x1xf32, #tpu.memory_space<vmem>>, vector<256x1xf32>
    tpu.vector_store %arg9[%swap3A_11, %swap3A_12], %add3A {strides = array<i32>} : memref<256x1xf32, #tpu.memory_space<vmem>>, vector<256x1xf32>,
    %eq3A_14 = arith.constant 4 : i32
    %eq3A_15 = arith.cmpi eq, %arg1, %eq3A_14 : i32
    %convert_element_type3A_16 = arith.extui %eq3A_15 : i1 to i32
    %cond3A_17 = arith.constant 0 : i32
    %cond3A_18 = arith.cmpi ne, %convert_element_type3A_16, %cond3A_17 : i32
    scf.if %cond3A_18 {
      %get3A_19 = arith.constant 0 : index
      %get3A_20 = arith.constant 0 : index
      %get3A_21 = vector.load %arg9[%get3A_19, %get3A_20] : memref<256x1xf32, #tpu.memory_space<vmem>>, vector<256x1xf32>
      %add3A_22 = arith.constant 1.000000e+00 : f32
      %add3A_23 = vector.broadcast %add3A_22 : f32 to vector<256x1xf32>
      %add3A_24 = arith.addf %get3A_21, %add3A_23 : vector<256x1xf32>
      %rsqrt3A = math.rsqrt %add3A_24 : vector<256x1xf32>
      %swap3A_25 = arith.constant 0 : index
      %swap3A_26 = arith.constant 0 : index
      %swap3A_27 = vector.load %arg5[%swap3A_25, %swap3A_26] : memref<256x1xf32, #tpu.memory_space<vmem>>, vector<256x1xf32>
      tpu.vector_store %arg5[%swap3A_25, %swap3A_26], %rsqrt3A {strides = array<i32>} : memref<256x1xf32, #tpu.memory_space<vmem>>, vector<256x1xf32>,
      %get3A_28 = arith.constant 0 : index
      %get3A_29 = arith.constant 0 : index
      %get3A_30 = vector.load %arg3[%get3A_28, %get3A_29] : memref<256x128xf32, #tpu.memory_space<vmem>>, vector<256x128xf32>
      %get3A_31 = arith.constant 0 : index
      %get3A_32 = arith.constant 0 : index
      %get3A_33 = vector.load %arg4[%get3A_31, %get3A_32] : memref<128x256xf32, #tpu.memory_space<vmem>>, vector<128x256xf32>
      %dot_general3A = arith.constant dense<0.000000e+00> : vector<256x256xf32>
      %dot_general3A_34 = tpu.matmul %get3A_30, %get3A_33, %dot_general3A {dimension_numbers = #tpu.dot_dimension_numbers<[1], [0], [0], [1], [0, 0, 1, 1], [], []>, transpose_lhs_hint = false} : vector<256x128xf32>, vector<128x256xf32>, vector<256x256xf32> -> vector<256x256xf32>
      %mul3A = vector.broadcast %rsqrt3A : vector<256x1xf32> to vector<256x256xf32>
      %mul3A_35 = arith.mulf %mul3A, %dot_general3A_34 : vector<256x256xf32>
      %swap3A_36 = arith.constant 0 : index
      %swap3A_37 = arith.constant 0 : index
      %swap3A_38 = vector.load %arg6[%swap3A_36, %swap3A_37] : memref<256x256xf32, #tpu.memory_space<vmem>>, vector<256x256xf32>
      tpu.vector_store %arg6[%swap3A_36, %swap3A_37], %mul3A_35 {strides = array<i32>} : memref<256x256xf32, #tpu.memory_space<vmem>>, vector<256x256xf32>,
      %convert_element_type3A_39 = arith.truncf %mul3A_35 : vector<256x256xf32> to vector<256x256xbf16>
      %swap3A_40 = arith.constant 0 : index
      %swap3A_41 = arith.constant 0 : index
      %swap3A_42 = vector.load %arg7[%swap3A_40, %swap3A_41] : memref<256x256xbf16, #tpu.memory_space<vmem>>, vector<256x256xbf16>
      tpu.vector_store %arg7[%swap3A_40, %swap3A_41], %convert_element_type3A_39 {strides = array<i32>} : memref<256x256xbf16, #tpu.memory_space<vmem>>, vector<256x256xbf16>,
    } else {
    }
    return
  }
  func.func @transform_0(%arg0: i32, %arg1: i32) -> (i32, i32) {
    %c0_i32 = arith.constant 0 : i32
    return %arg0, %arg1 : i32, i32
  }
  func.func @transform_1(%arg0: i32, %arg1: i32) -> (i32, i32) {
    %c0_i32 = arith.constant 0 : i32
    %c0_i32_0 = arith.constant 0 : i32
    return %arg0, %c0_i32 : i32, i32
  }
  func.func @transform_2(%arg0: i32, %arg1: i32) -> (i32, i32) {
    %c0_i32 = arith.constant 0 : i32
    %c0_i32_0 = arith.constant 0 : i32
    %c0_i32_1 = arith.constant 0 : i32
    return %c0_i32, %c0_i32_0 : i32, i32
  }
  func.func @transform_3(%arg0: i32, %arg1: i32) -> (i32, i32) {
    %c0_i32 = arith.constant 0 : i32
    %c0_i32_0 = arith.constant 0 : i32
    return %arg0, %c0_i32 : i32, i32
  }
  func.func @transform_4(%arg0: i32, %arg1: i32) -> (i32, i32) {
    %c0_i32 = arith.constant 0 : i32
    %c0_i32_0 = arith.constant 0 : i32
    return %arg0, %c0_i32 : i32, i32
  }
  func.func @transform_5(%arg0: i32, %arg1: i32) -> (i32, i32) {
    %c0_i32 = arith.constant 0 : i32
    %c0_i32_0 = arith.constant 0 : i32
    return %arg0, %c0_i32 : i32, i32
  }
  func.func @transform_6(%arg0: i32, %arg1: i32) -> (i32, i32) {
    %c0_i32 = arith.constant 0 : i32
    return %arg0, %arg1 : i32, i32
  }
}

module attributes {stable_mosaic.version = 14 : i64} {
  func.func @body(%arg0: i32, %arg1: i32, %arg2: memref<256x2048xbf16, #tpu.memory_space<vmem>>, %arg3: memref<10240x256xbf16, #tpu.memory_space<vmem>>, %arg4: memref<256x256xf32, #tpu.memory_space<vmem>>, %arg5: memref<256x1xf32, #tpu.memory_space<vmem>>, %arg6: memref<1x256xf32, #tpu.memory_space<vmem>>, %arg7: memref<256x256xf32, #tpu.memory_space<vmem>>, %arg8: memref<256x256xf32, #tpu.memory_space<vmem>>) attributes {dimension_semantics = [#tpu.dimension_semantics<parallel>, #tpu.dimension_semantics<arbitrary>], iteration_bounds = array<i64: 40, 5>, scalar_prefetch = 0 : i64, scratch_operands = 1 : i64, tpu.core_type = #tpu.core_type<tc>, window_params = [{transform_indices = @transform_0, window_bounds = array<i64: 256, 2048>}, {pipeline_mode = #tpu.pipeline_mode<synchronous>, transform_indices = @transform_1, window_bounds = array<i64: 10240, 256>}, {transform_indices = @transform_2, window_bounds = array<i64: 256, 256>}, {transform_indices = @transform_3, window_bounds = array<i64: 256, 1>}, {pipeline_mode = #tpu.pipeline_mode<synchronous>, transform_indices = @transform_4, window_bounds = array<i64: 1, 256>}, {transform_indices = @transform_5, window_bounds = array<i64: 256, 256>}]} {
    %get3A = arith.constant 0 : index
    %get3A_0 = arith.constant 0 : index
    %get3A_1 = vector.load %arg2[%get3A, %get3A_0] : memref<256x2048xbf16, #tpu.memory_space<vmem>>, vector<256x2048xbf16>
    %mul3A = arith.constant 2048 : i32
    %mul3A_2 = arith.muli %arg1, %mul3A : i32
    %get3A_3 = arith.index_cast %mul3A_2 : i32 to index
    %get3A_4 = arith.constant 0 : index
    %get3A_5 = vector.load %arg3[%get3A_3, %get3A_4] : memref<10240x256xbf16, #tpu.memory_space<vmem>>, vector<2048x256xbf16>
    %dot_general3A = arith.constant dense<0.000000e+00> : vector<256x256xf32>
    %dot_general3A_6 = tpu.matmul %get3A_1, %get3A_5, %dot_general3A {dimension_numbers = #tpu.dot_dimension_numbers<[1], [0], [0], [1], [0, 0, 1, 1], [], []>, transpose_lhs_hint = false} : vector<256x2048xbf16>, vector<2048x256xbf16>, vector<256x256xf32> -> vector<256x256xf32>
    %eq3A = arith.constant 0 : i32
    %eq3A_7 = arith.cmpi eq, %arg1, %eq3A : i32
    %convert_element_type3A = arith.extui %eq3A_7 : i1 to i32
    %cond3A = arith.constant 0 : i32
    %cond3A_8 = arith.cmpi ne, %convert_element_type3A, %cond3A : i32
    scf.if %cond3A_8 {
      %swap3A = arith.constant 0 : index
      %swap3A_18 = arith.constant 0 : index
      %swap3A_19 = vector.load %arg8[%swap3A, %swap3A_18] : memref<256x256xf32, #tpu.memory_space<vmem>>, vector<256x256xf32>
      tpu.vector_store %arg8[%swap3A, %swap3A_18], %dot_general3A_6 {strides = array<i32>} : memref<256x256xf32, #tpu.memory_space<vmem>>, vector<256x256xf32>,
    } else {
    }
    %gt3A = arith.constant 0 : i32
    %gt3A_9 = arith.cmpi sgt, %arg1, %gt3A : i32
    %convert_element_type3A_10 = arith.extui %gt3A_9 : i1 to i32
    %cond3A_11 = arith.constant 0 : i32
    %cond3A_12 = arith.cmpi ne, %convert_element_type3A_10, %cond3A_11 : i32
    scf.if %cond3A_12 {
      %get3A_18 = arith.constant 0 : index
      %get3A_19 = arith.constant 0 : index
      %get3A_20 = vector.load %arg8[%get3A_18, %get3A_19] : memref<256x256xf32, #tpu.memory_space<vmem>>, vector<256x256xf32>
      %add3A = arith.addf %get3A_20, %dot_general3A_6 : vector<256x256xf32>
      %swap3A = arith.constant 0 : index
      %swap3A_21 = arith.constant 0 : index
      %swap3A_22 = vector.load %arg8[%swap3A, %swap3A_21] : memref<256x256xf32, #tpu.memory_space<vmem>>, vector<256x256xf32>
      tpu.vector_store %arg8[%swap3A, %swap3A_21], %add3A {strides = array<i32>} : memref<256x256xf32, #tpu.memory_space<vmem>>, vector<256x256xf32>,
    } else {
    }
    %eq3A_13 = arith.constant 4 : i32
    %eq3A_14 = arith.cmpi eq, %arg1, %eq3A_13 : i32
    %convert_element_type3A_15 = arith.extui %eq3A_14 : i1 to i32
    %cond3A_16 = arith.constant 0 : i32
    %cond3A_17 = arith.cmpi ne, %convert_element_type3A_15, %cond3A_16 : i32
    scf.if %cond3A_17 {
      %get3A_18 = arith.constant 0 : index
      %get3A_19 = arith.constant 0 : index
      %get3A_20 = vector.load %arg5[%get3A_18, %get3A_19] : memref<256x1xf32, #tpu.memory_space<vmem>>, vector<256x1xf32>
      %get3A_21 = arith.constant 0 : index
      %get3A_22 = arith.constant 0 : index
      %get3A_23 = vector.load %arg8[%get3A_21, %get3A_22] : memref<256x256xf32, #tpu.memory_space<vmem>>, vector<256x256xf32>
      %get3A_24 = arith.constant 0 : index
      %get3A_25 = arith.constant 0 : index
      %get3A_26 = vector.load %arg4[%get3A_24, %get3A_25] : memref<256x256xf32, #tpu.memory_space<vmem>>, vector<256x256xf32>
      %add3A = arith.addf %get3A_23, %get3A_26 : vector<256x256xf32>
      %mul3A_27 = vector.broadcast %get3A_20 : vector<256x1xf32> to vector<256x256xf32>
      %mul3A_28 = arith.mulf %mul3A_27, %add3A : vector<256x256xf32>
      %get3A_29 = arith.constant 0 : index
      %get3A_30 = arith.constant 0 : index
      %get3A_31 = vector.load %arg6[%get3A_29, %get3A_30] : memref<1x256xf32, #tpu.memory_space<vmem>>, vector<1x256xf32>
      %add3A_32 = vector.broadcast %get3A_31 : vector<1x256xf32> to vector<256x256xf32>
      %add3A_33 = arith.addf %mul3A_28, %add3A_32 : vector<256x256xf32>
      %max3A = arith.constant 0.000000e+00 : f32
      %max3A_34 = vector.broadcast %max3A : f32 to vector<256x256xf32>
      %max3A_35 = arith.maximumf %add3A_33, %max3A_34 : vector<256x256xf32>
      %mul3A_36 = arith.constant 256 : i32
      %mul3A_37 = arith.muli %arg0, %mul3A_36 : i32
      %iota3A = tpu.iota {dimensions = array<i32: 0>} : vector<256x1xi32>
      %add3A_38 = vector.broadcast %mul3A_37 : i32 to vector<256x1xi32>
      %add3A_39 = arith.addi %add3A_38, %iota3A : vector<256x1xi32>
      %lt3A = arith.constant 10000 : i32
      %lt3A_40 = vector.broadcast %lt3A : i32 to vector<256x1xi32>
      %lt3A_41 = arith.cmpi slt, %add3A_39, %lt3A_40 : vector<256x1xi32>
      %jit3A = arith.constant 0.000000e+00 : f32
      %broadcast_in_dim3A = vector.shape_cast %lt3A_41 : vector<256x1xi1> to vector<256x1xi1>
      %broadcast_in_dim3A_42 = vector.broadcast %broadcast_in_dim3A : vector<256x1xi1> to vector<256x256xi1>
      %broadcast_in_dim3A_43 = vector.broadcast %jit3A : f32 to vector<256x256xf32>
      %select_n3A = arith.select %broadcast_in_dim3A_42, %max3A_35, %broadcast_in_dim3A_43 : vector<256x256xi1>, vector<256x256xf32>
      %swap3A = arith.constant 0 : index
      %swap3A_44 = arith.constant 0 : index
      %swap3A_45 = vector.load %arg7[%swap3A, %swap3A_44] : memref<256x256xf32, #tpu.memory_space<vmem>>, vector<256x256xf32>
      tpu.vector_store %arg7[%swap3A, %swap3A_44], %select_n3A {strides = array<i32>} : memref<256x256xf32, #tpu.memory_space<vmem>>, vector<256x256xf32>,
    } else {
    }
    return
  }
  func.func @transform_0(%arg0: i32, %arg1: i32) -> (i32, i32) {
    %c0_i32 = arith.constant 0 : i32
    return %arg0, %arg1 : i32, i32
  }
  func.func @transform_1(%arg0: i32, %arg1: i32) -> (i32, i32) {
    %c0_i32 = arith.constant 0 : i32
    %c0_i32_0 = arith.constant 0 : i32
    %c0_i32_1 = arith.constant 0 : i32
    return %c0_i32, %c0_i32_0 : i32, i32
  }
  func.func @transform_2(%arg0: i32, %arg1: i32) -> (i32, i32) {
    %c0_i32 = arith.constant 0 : i32
    %c0_i32_0 = arith.constant 0 : i32
    return %arg0, %c0_i32 : i32, i32
  }
  func.func @transform_3(%arg0: i32, %arg1: i32) -> (i32, i32) {
    %c0_i32 = arith.constant 0 : i32
    %c0_i32_0 = arith.constant 0 : i32
    return %arg0, %c0_i32 : i32, i32
  }
  func.func @transform_4(%arg0: i32, %arg1: i32) -> (i32, i32) {
    %c0_i32 = arith.constant 0 : i32
    %c0_i32_0 = arith.constant 0 : i32
    %c0_i32_1 = arith.constant 0 : i32
    return %c0_i32, %c0_i32_0 : i32, i32
  }
  func.func @transform_5(%arg0: i32, %arg1: i32) -> (i32, i32) {
    %c0_i32 = arith.constant 0 : i32
    %c0_i32_0 = arith.constant 0 : i32
    return %arg0, %c0_i32 : i32, i32
  }
}

module attributes {stable_mosaic.version = 14 : i64} {
  func.func @body(%arg0: i32, %arg1: memref<512x256xf32, #tpu.memory_space<vmem>>, %arg2: memref<256x128xf32, #tpu.memory_space<vmem>>, %arg3: memref<512x1xf32, #tpu.memory_space<vmem>>, %arg4: memref<512x128xf32, #tpu.memory_space<vmem>>, %arg5: memref<512x128xbf16, #tpu.memory_space<vmem>>) attributes {dimension_semantics = [#tpu.dimension_semantics<arbitrary>], iteration_bounds = array<i64: 20>, scalar_prefetch = 0 : i64, scratch_operands = 0 : i64, tpu.core_type = #tpu.core_type<tc>, window_params = [{transform_indices = @transform_0, window_bounds = array<i64: 512, 256>}, {pipeline_mode = #tpu.pipeline_mode<synchronous>, transform_indices = @transform_1, window_bounds = array<i64: 256, 128>}, {transform_indices = @transform_2, window_bounds = array<i64: 512, 1>}, {transform_indices = @transform_3, window_bounds = array<i64: 512, 128>}, {transform_indices = @transform_4, window_bounds = array<i64: 512, 128>}]} {
    %get3A = arith.constant 0 : index
    %get3A_0 = arith.constant 0 : index
    %get3A_1 = vector.load %arg3[%get3A, %get3A_0] : memref<512x1xf32, #tpu.memory_space<vmem>>, vector<512x1xf32>
    %get3A_2 = arith.constant 0 : index
    %get3A_3 = arith.constant 0 : index
    %get3A_4 = vector.load %arg1[%get3A_2, %get3A_3] : memref<512x256xf32, #tpu.memory_space<vmem>>, vector<512x256xf32>
    %get3A_5 = arith.constant 0 : index
    %get3A_6 = arith.constant 0 : index
    %get3A_7 = vector.load %arg2[%get3A_5, %get3A_6] : memref<256x128xf32, #tpu.memory_space<vmem>>, vector<256x128xf32>
    %dot_general3A = arith.constant dense<0.000000e+00> : vector<512x128xf32>
    %dot_general3A_8 = tpu.matmul %get3A_4, %get3A_7, %dot_general3A {dimension_numbers = #tpu.dot_dimension_numbers<[1], [0], [0], [1], [0, 0, 1, 1], [], []>, transpose_lhs_hint = false} : vector<512x256xf32>, vector<256x128xf32>, vector<512x128xf32> -> vector<512x128xf32>
    %mul3A = vector.broadcast %get3A_1 : vector<512x1xf32> to vector<512x128xf32>
    %mul3A_9 = arith.mulf %mul3A, %dot_general3A_8 : vector<512x128xf32>
    %swap3A = arith.constant 0 : index
    %swap3A_10 = arith.constant 0 : index
    %swap3A_11 = vector.load %arg4[%swap3A, %swap3A_10] : memref<512x128xf32, #tpu.memory_space<vmem>>, vector<512x128xf32>
    tpu.vector_store %arg4[%swap3A, %swap3A_10], %mul3A_9 {strides = array<i32>} : memref<512x128xf32, #tpu.memory_space<vmem>>, vector<512x128xf32>,
    %convert_element_type3A = arith.truncf %mul3A_9 : vector<512x128xf32> to vector<512x128xbf16>
    %swap3A_12 = arith.constant 0 : index
    %swap3A_13 = arith.constant 0 : index
    %swap3A_14 = vector.load %arg5[%swap3A_12, %swap3A_13] : memref<512x128xbf16, #tpu.memory_space<vmem>>, vector<512x128xbf16>
    tpu.vector_store %arg5[%swap3A_12, %swap3A_13], %convert_element_type3A {strides = array<i32>} : memref<512x128xbf16, #tpu.memory_space<vmem>>, vector<512x128xbf16>,
    return
  }
  func.func @transform_0(%arg0: i32) -> (i32, i32) {
    %c0_i32 = arith.constant 0 : i32
    %c0_i32_0 = arith.constant 0 : i32
    return %arg0, %c0_i32 : i32, i32
  }
  func.func @transform_1(%arg0: i32) -> (i32, i32) {
    %c0_i32 = arith.constant 0 : i32
    %c0_i32_0 = arith.constant 0 : i32
    %c0_i32_1 = arith.constant 0 : i32
    return %c0_i32, %c0_i32_0 : i32, i32
  }
  func.func @transform_2(%arg0: i32) -> (i32, i32) {
    %c0_i32 = arith.constant 0 : i32
    %c0_i32_0 = arith.constant 0 : i32
    return %arg0, %c0_i32 : i32, i32
  }
  func.func @transform_3(%arg0: i32) -> (i32, i32) {
    %c0_i32 = arith.constant 0 : i32
    %c0_i32_0 = arith.constant 0 : i32
    return %arg0, %c0_i32 : i32, i32
  }
  func.func @transform_4(%arg0: i32) -> (i32, i32) {
    %c0_i32 = arith.constant 0 : i32
    %c0_i32_0 = arith.constant 0 : i32
    return %arg0, %c0_i32 : i32, i32
  }
}

module attributes {stable_mosaic.version = 14 : i64} {
  func.func @body(%arg0: i32, %arg1: i32, %arg2: memref<256x2048xbf16, #tpu.memory_space<vmem>>, %arg3: memref<10240x128xbf16, #tpu.memory_space<vmem>>, %arg4: memref<256x128xf32, #tpu.memory_space<vmem>>, %arg5: memref<256x1xf32, #tpu.memory_space<vmem>>, %arg6: memref<1x128xf32, #tpu.memory_space<vmem>>, %arg7: memref<256x128xf32, #tpu.memory_space<vmem>>, %arg8: memref<256x128xf32, #tpu.memory_space<vmem>>) attributes {dimension_semantics = [#tpu.dimension_semantics<parallel>, #tpu.dimension_semantics<arbitrary>], iteration_bounds = array<i64: 40, 5>, scalar_prefetch = 0 : i64, scratch_operands = 1 : i64, tpu.core_type = #tpu.core_type<tc>, window_params = [{transform_indices = @transform_0, window_bounds = array<i64: 256, 2048>}, {pipeline_mode = #tpu.pipeline_mode<synchronous>, transform_indices = @transform_1, window_bounds = array<i64: 10240, 128>}, {transform_indices = @transform_2, window_bounds = array<i64: 256, 128>}, {transform_indices = @transform_3, window_bounds = array<i64: 256, 1>}, {pipeline_mode = #tpu.pipeline_mode<synchronous>, transform_indices = @transform_4, window_bounds = array<i64: 1, 128>}, {transform_indices = @transform_5, window_bounds = array<i64: 256, 128>}]} {
    %get3A = arith.constant 0 : index
    %get3A_0 = arith.constant 0 : index
    %get3A_1 = vector.load %arg2[%get3A, %get3A_0] : memref<256x2048xbf16, #tpu.memory_space<vmem>>, vector<256x2048xbf16>
    %mul3A = arith.constant 2048 : i32
    %mul3A_2 = arith.muli %arg1, %mul3A : i32
    %get3A_3 = arith.index_cast %mul3A_2 : i32 to index
    %get3A_4 = arith.constant 0 : index
    %get3A_5 = vector.load %arg3[%get3A_3, %get3A_4] : memref<10240x128xbf16, #tpu.memory_space<vmem>>, vector<2048x128xbf16>
    %dot_general3A = arith.constant dense<0.000000e+00> : vector<256x128xf32>
    %dot_general3A_6 = tpu.matmul %get3A_1, %get3A_5, %dot_general3A {dimension_numbers = #tpu.dot_dimension_numbers<[1], [0], [0], [1], [0, 0, 1, 1], [], []>, transpose_lhs_hint = false} : vector<256x2048xbf16>, vector<2048x128xbf16>, vector<256x128xf32> -> vector<256x128xf32>
    %eq3A = arith.constant 0 : i32
    %eq3A_7 = arith.cmpi eq, %arg1, %eq3A : i32
    %convert_element_type3A = arith.extui %eq3A_7 : i1 to i32
    %cond3A = arith.constant 0 : i32
    %cond3A_8 = arith.cmpi ne, %convert_element_type3A, %cond3A : i32
    scf.if %cond3A_8 {
      %swap3A = arith.constant 0 : index
      %swap3A_18 = arith.constant 0 : index
      %swap3A_19 = vector.load %arg8[%swap3A, %swap3A_18] : memref<256x128xf32, #tpu.memory_space<vmem>>, vector<256x128xf32>
      tpu.vector_store %arg8[%swap3A, %swap3A_18], %dot_general3A_6 {strides = array<i32>} : memref<256x128xf32, #tpu.memory_space<vmem>>, vector<256x128xf32>,
    } else {
    }
    %gt3A = arith.constant 0 : i32
    %gt3A_9 = arith.cmpi sgt, %arg1, %gt3A : i32
    %convert_element_type3A_10 = arith.extui %gt3A_9 : i1 to i32
    %cond3A_11 = arith.constant 0 : i32
    %cond3A_12 = arith.cmpi ne, %convert_element_type3A_10, %cond3A_11 : i32
    scf.if %cond3A_12 {
      %get3A_18 = arith.constant 0 : index
      %get3A_19 = arith.constant 0 : index
      %get3A_20 = vector.load %arg8[%get3A_18, %get3A_19] : memref<256x128xf32, #tpu.memory_space<vmem>>, vector<256x128xf32>
      %add3A = arith.addf %get3A_20, %dot_general3A_6 : vector<256x128xf32>
      %swap3A = arith.constant 0 : index
      %swap3A_21 = arith.constant 0 : index
      %swap3A_22 = vector.load %arg8[%swap3A, %swap3A_21] : memref<256x128xf32, #tpu.memory_space<vmem>>, vector<256x128xf32>
      tpu.vector_store %arg8[%swap3A, %swap3A_21], %add3A {strides = array<i32>} : memref<256x128xf32, #tpu.memory_space<vmem>>, vector<256x128xf32>,
    } else {
    }
    %eq3A_13 = arith.constant 4 : i32
    %eq3A_14 = arith.cmpi eq, %arg1, %eq3A_13 : i32
    %convert_element_type3A_15 = arith.extui %eq3A_14 : i1 to i32
    %cond3A_16 = arith.constant 0 : i32
    %cond3A_17 = arith.cmpi ne, %convert_element_type3A_15, %cond3A_16 : i32
    scf.if %cond3A_17 {
      %get3A_18 = arith.constant 0 : index
      %get3A_19 = arith.constant 0 : index
      %get3A_20 = vector.load %arg5[%get3A_18, %get3A_19] : memref<256x1xf32, #tpu.memory_space<vmem>>, vector<256x1xf32>
      %get3A_21 = arith.constant 0 : index
      %get3A_22 = arith.constant 0 : index
      %get3A_23 = vector.load %arg8[%get3A_21, %get3A_22] : memref<256x128xf32, #tpu.memory_space<vmem>>, vector<256x128xf32>
      %get3A_24 = arith.constant 0 : index
      %get3A_25 = arith.constant 0 : index
      %get3A_26 = vector.load %arg4[%get3A_24, %get3A_25] : memref<256x128xf32, #tpu.memory_space<vmem>>, vector<256x128xf32>
      %add3A = arith.addf %get3A_23, %get3A_26 : vector<256x128xf32>
      %mul3A_27 = vector.broadcast %get3A_20 : vector<256x1xf32> to vector<256x128xf32>
      %mul3A_28 = arith.mulf %mul3A_27, %add3A : vector<256x128xf32>
      %get3A_29 = arith.constant 0 : index
      %get3A_30 = arith.constant 0 : index
      %get3A_31 = vector.load %arg6[%get3A_29, %get3A_30] : memref<1x128xf32, #tpu.memory_space<vmem>>, vector<1x128xf32>
      %add3A_32 = vector.broadcast %get3A_31 : vector<1x128xf32> to vector<256x128xf32>
      %add3A_33 = arith.addf %mul3A_28, %add3A_32 : vector<256x128xf32>
      %swap3A = arith.constant 0 : index
      %swap3A_34 = arith.constant 0 : index
      %swap3A_35 = vector.load %arg7[%swap3A, %swap3A_34] : memref<256x128xf32, #tpu.memory_space<vmem>>, vector<256x128xf32>
      tpu.vector_store %arg7[%swap3A, %swap3A_34], %add3A_33 {strides = array<i32>} : memref<256x128xf32, #tpu.memory_space<vmem>>, vector<256x128xf32>,
    } else {
    }
    return
  }
  func.func @transform_0(%arg0: i32, %arg1: i32) -> (i32, i32) {
    %c0_i32 = arith.constant 0 : i32
    return %arg0, %arg1 : i32, i32
  }
  func.func @transform_1(%arg0: i32, %arg1: i32) -> (i32, i32) {
    %c0_i32 = arith.constant 0 : i32
    %c0_i32_0 = arith.constant 0 : i32
    %c0_i32_1 = arith.constant 0 : i32
    return %c0_i32, %c0_i32_0 : i32, i32
  }
  func.func @transform_2(%arg0: i32, %arg1: i32) -> (i32, i32) {
    %c0_i32 = arith.constant 0 : i32
    %c0_i32_0 = arith.constant 0 : i32
    return %arg0, %c0_i32 : i32, i32
  }
  func.func @transform_3(%arg0: i32, %arg1: i32) -> (i32, i32) {
    %c0_i32 = arith.constant 0 : i32
    %c0_i32_0 = arith.constant 0 : i32
    return %arg0, %c0_i32 : i32, i32
  }
  func.func @transform_4(%arg0: i32, %arg1: i32) -> (i32, i32) {
    %c0_i32 = arith.constant 0 : i32
    %c0_i32_0 = arith.constant 0 : i32
    %c0_i32_1 = arith.constant 0 : i32
    return %c0_i32, %c0_i32_0 : i32, i32
  }
  func.func @transform_5(%arg0: i32, %arg1: i32) -> (i32, i32) {
    %c0_i32 = arith.constant 0 : i32
    %c0_i32_0 = arith.constant 0 : i32
    return %arg0, %c0_i32 : i32, i32
  }
}

</mosaic_0001>

<sc_bundles>
// kernel: kernel.7.cloned.1.call-start
scs
__scs_entry_jumppad:
0x0: {  	(pc) =	sbr.rel $0x88, $3  }
0x1: {  	(tag) =	ssettag $0x0;
	lr =	simm.s32 $0x1  }
0x2: {  	[smem:$0x3F9B] =	sst lr;
	_ =	strace $0xD0000000  }
0x3: {  	_ = 	snop  }
0x4: {  	_ = 	snop  }
0x5: {  	_ = 	snop  }
0x6: {  	_ = 	snop  }
0x7: {  	_ = 	snop  }
__scs_overlays_trampoline_lowered:
0x8: {  	[smem:$0x3FAA] =	sst s0  }
0x9: {  	[smem:$0x3FAB] =	sst s1  }
0xa: {  	[smem:$0x3FAC] =	sst s2  }
0xb: {  	[smem:$0x3FAD] =	sst s3  }
0xc: {  	[smem:$0x3FAE] =	sst s4  }
0xd: {  	[smem:$0x3FAF] =	sst s5  }
0xe: {  	[smem:$0x3FB0] =	sst s6  }
0xf: {  	[smem:$0x3FB1] =	sst s7  }
0x10: {  	[smem:$0x3FB2] =	sst s8  }
0x11: {  	[smem:$0x3FB3] =	sst s9;
	s0 =	simm.s32 @!p0 $0x0  }
0x12: {  	s1 =	sld [smem:$0x3F99];
	s0 =	simm.s32 @p0 $0x1  }
0x13: {  	[smem:$0x3FB4] =	sst s0;
	s0 =	simm.s32 @!p1 $0x0  }
0x14: {  	s2 =	sld [smem:$0x3F98];
	s0 =	simm.s32 @p1 $0x1  }
0x15: {  	[smem:$0x3FB5] =	sst s0;
	s0 =	simm.s32 @!p2 $0x0  }
0x16: {  	s3 =	sld [smem:$0x3FDB];
	s0 =	simm.s32 @p2 $0x1  }
0x17: {  	s4 =	simm.s32 $0x1BF5;
	[smem:$0x3FB7] =	sst s0  }
0x18: {  	s0 =	sld [smem:$0x3F9A];
	_ =	swait.ge [sflag:s4], $0x0  }
0x19: {  	s7 =	sld [smem:$0x3F9B]  }
0x1a: {  	s8 =	sadd.s32 $0xFFFFE003, lr  }
0x1b: {  	s9 =	sadd.s32 $0xFFFFFEF7, lr;
	s5 =	simm.s32 $0xFFFFFFFF;
	p2 =	slt.u32 s8, $0xFFFFF086  }
0x1c: {  	p1 =	slt.u32 s9, $0xF7A;
	s5 =	simm.s32 @!p2 $0x0  }
0x1d: {  	s5 =	simm.s32 @p1 $0x1;
	p0 =	seq.s32 s7, s2  }
0x1e: {  	s7 =	smul.u32 @!p0 $0xF7A, s2;
	p2 =	seq.s32 @!p0 s5, $0x0  }
0x1f: {  	s9 =	smul.u32 $0xF7A, s1;
	s8 =	simm.s32 @!p0 $0x1BF5;
	p2 =	por !p2, p0  }
0x20: {  	[sflag:s8] =	ssyncset.s32 @!p0 $0xFFFFF086;
	s6 =	sadd.s32 @!p0 s3, s7;
	s7 =	simm.s32 @!p0 $0x108  }
0x21: {  	s3 =	sadd.s32 s3, s9;
	s6 =	sadd.s32 @!p0 $0x88, s6;
	s7 =	simm.s32 @p2 $0x1082  }
0x22: {  	[simem:s7], [sflag:s8] =	dma.local @!p0 [hbm:s6], $0xF7A  }
0x23: {  	s9 =	sor.u32 $0xD0000000, s2;
	s6 =	simm.s32 $0x108;
	_ =	swait.ge @!p0 [sflag:s8], $0x0  }
0x24: {  	s3 =	sadd.s32 $0x88, s3;
	s6 =	simm.s32 @!p1 $0x1082;
	[sflag:s4] =	ssyncset.s32 $0xFFFFF086  }
0x25: {  	[simem:s6], [sflag:s4] =	dma.local [hbm:s3], $0xF7A  }
0x26: {  	[smem:$0x3F9B] =	sst s1;
	(tag) =	ssettag s2;
	_ =	strace s9  }
0x27: {  	s1 =	sld [smem:$0x3FAB]  }
0x28: {  	s2 =	sld [smem:$0x3FAC]  }
0x29: {  	s4 =	sld [smem:$0x3FAE]  }
0x2a: {  	p0 =	seq.s32 s5, $0x0;
	s5 =	sld [smem:$0x3FAF]  }
0x2b: {  	s6 =	sld [smem:$0x3FB0]  }
0x2c: {  	s7 =	sld [smem:$0x3FB1]  }
0x2d: {  	s3 =	simm.s32 $0x108;
	s8 =	sld [smem:$0x3FB2]  }
0x2e: {  	s3 =	simm.s32 @!p0 $0x1082;
	s9 =	sld [smem:$0x3FB3]  }
0x2f: {  	lr =	sadd.s32 s0, s3;
	s0 =	sld [smem:$0x3FAA]  }
0x30: {  	s3 =	sld [smem:$0x3FAD]  }
0x31: {  	[smem:$0x3FB6] =	sst s10  }
0x32: {  	s10 =	sld [smem:$0x3FB4];
	_ =	sdelay $0x3  }
0x33: {  	p0 =	seq.s32 s10, $0x1;
	s10 =	sld [smem:$0x3FB6];
	_ =	sdelay $0x3  }
0x34: {  	[smem:$0x3FB6] =	sst s10  }
0x35: {  	s10 =	sld [smem:$0x3FB5];
	_ =	sdelay $0x3  }
0x36: {  	p1 =	seq.s32 s10, $0x1;
	s10 =	sld [smem:$0x3FB6];
	_ =	sdelay $0x3  }
0x37: {  	[smem:$0x3FB6] =	sst s10  }
0x38: {  	s10 =	sld [smem:$0x3FB7]  }
0x39: {  	_ = 	snop;
	(pc) =	sbr.ind lr, $3  }
0x3a: {  	_ = 	snop  }
0x3b: {  	_ = 	snop  }
0x3c: {  	p2 =	seq.s32 s10, $0x1;
	s10 =	sld [smem:$0x3FB6]  }
0x3d: {  	_ =	shalt  }
0x3e: {  	_ =	shalt  }
0x3f: {  	_ =	shalt  }
0x40: {  	_ =	shalt  }
0x41: {  	_ =	shalt  }
0x42: {  	_ =	shalt  }
0x43: {  	_ =	shalt  }
0x44: {  	_ =	shalt  }
0x45: {  	_ =	shalt  }
0x46: {  	_ =	shalt  }
0x47: {  	_ =	shalt  }
0x48: {  	_ =	shalt  }
0x49: {  	_ =	shalt  }
0x4a: {  	_ =	shalt  }
0x4b: {  	_ =	shalt  }
0x4c: {  	_ =	shalt  }
0x4d: {  	_ =	shalt  }
0x4e: {  	_ =	shalt  }
0x4f: {  	_ =	shalt  }
0x50: {  	_ =	shalt  }
0x51: {  	_ =	shalt  }
0x52: {  	_ =	shalt  }
0x53: {  	_ =	shalt  }
0x54: {  	_ =	shalt  }
0x55: {  	_ =	shalt  }
0x56: {  	_ =	shalt  }
0x57: {  	_ =	shalt  }
0x58: {  	_ =	shalt  }
0x59: {  	_ =	shalt  }
0x5a: {  	_ =	shalt  }
0x5b: {  	_ =	shalt  }
0x5c: {  	_ =	shalt  }
0x5d: {  	_ =	shalt  }
0x5e: {  	_ =	shalt  }
0x5f: {  	_ =	shalt  }
0x60: {  	_ =	shalt  }
0x61: {  	_ =	shalt  }
0x62: {  	_ =	shalt  }
0x63: {  	_ =	shalt  }
0x64: {  	_ =	shalt  }
0x65: {  	_ =	shalt  }
0x66: {  	_ =	shalt  }
0x67: {  	_ =	shalt  }
0x68: {  	_ =	shalt  }
0x69: {  	_ =	shalt  }
0x6a: {  	_ =	shalt  }
0x6b: {  	_ =	shalt  }
0x6c: {  	_ =	shalt  }
0x6d: {  	_ =	shalt  }
0x6e: {  	_ =	shalt  }
0x6f: {  	_ =	shalt  }
0x70: {  	_ =	shalt  }
0x71: {  	_ =	shalt  }
0x72: {  	_ =	shalt  }
0x73: {  	_ =	shalt  }
0x74: {  	_ =	shalt  }
0x75: {  	_ =	shalt  }
0x76: {  	_ =	shalt  }
0x77: {  	_ =	shalt  }
0x78: {  	_ =	shalt  }
0x79: {  	_ =	shalt  }
0x7a: {  	_ =	shalt  }
0x7b: {  	_ =	shalt  }
0x7c: {  	_ =	shalt  }
0x7d: {  	_ =	shalt  }
0x7e: {  	_ =	shalt  }
0x7f: {  	_ =	shalt  }
0x80: {  	_ =	shalt  }
0x81: {  	_ =	shalt  }
0x82: {  	_ =	shalt  }
0x83: {  	_ =	shalt  }
0x84: {  	_ =	shalt  }
0x85: {  	_ =	shalt  }
0x86: {  	_ =	shalt  }
0x87: {  	_ =	shalt  }
.Lfunc_end0:
.L_simem_size_0:
called_computation_lowered:
.L_overlay_start_0:
0x88: {  	s2 =	sld [smem:$0x3FD9]  }
0x89: {  	s3 =	sld [smem:$0x3FFE];
	_ =	sdelay $0x1  }
0x8a: {  	s1 =	srdreg.scid  }
0x8b: {  	s0 =	sand.u32 $0x1, s1  }
0x8c: {  	s17 =	sshll.u32 s0, $0xA;
	s2 =	sadd.s32 s3, s2  }
0x8d: {  	s2 =	sadd.s32 s2, s17  }
0x8e: {  	[smem:$0x3FC2] =	sst s2  }
0x8f: {  	_ = 	snop  }
0x90: {  	s2 =	sld [smem:$0x3FD0];
	(tm) =	ssettm $0x1  }
0x91: {  	s18 =	sld [smem:$0x3FFB];
	_ =	sdelay $0x3  }
0x92: {  	_ =	strace s18  }
0x93: {  	s3 =	sld [smem:$0x3FFC];
	_ =	sdelay $0x3  }
0x94: {  	_ =	strace s3  }
0x95: {  	s3 =	sld [smem:$0x3FFD];
	_ =	sdelay $0x3  }
0x96: {  	_ =	strace s3  }
0x97: {  	_ =	strace $0x8FFFFFFF  }
0x98: {  	s19 =	sld [smem:$0x3FDB];
	_ =	sdelay $0x1  }
0x99: {  	s4 =	simm.s32 $_scs_section_size  }
0x9a: {  	s5 =	simm.s32 $_size__tile_overlayer_lowered;
	s6 =	simm.s32 $_tile_overlayer_lowered  }
0x9b: {  	s22 =	simm.s32 $0x1BFF;
	s21 =	sshll.u32 s6, $0x1;
	s3 =	sadd.s32 s4, s19  }
0x9c: {  	s7 =	simm.s32 $0x0;
	s20 =	sshll.u32 s5, $0x1;
	s5 =	sadd.s32 s21, s3  }
0x9d: {  	[timem:s7], [sflag:s22] =	dma.local [hbm:s5], s20  }
0x9e: {  	_ =	swait.ge [sflag:s22], s20  }
0x9f: {  	s4 =	ssub.s32 $0x0, s20;
	[sflag:s22] =	ssyncset.done $0x0  }
0xa0: {  	[sflag:s22] =	ssyncadd.s32 s4;
	_ =	sdelay $0x1  }
0xa1: {  	s23 =	simm.s32 $0x1B8B  }
0xa2: {  	_ =	swait.ge [sflag:s23], $0x1  }
0xa3: {  	[sflag:s23] =	ssyncset.done $0x0  }
0xa4: {  	s25 =	simm.s32 $0x1B8E;
	s24 =	sld [smem:$0x3FFE];
	[sflag:s23] =	ssyncadd.s32 $0xFFFFFFFF  }
0xa5: {  	s26 =	simm.s32 $execute0_lowered;
	[smem:$0x3FD2] =	sst s25  }
0xa6: {  	s5 =	sshll.u32 s26, $0x1;
	_ =	strace $0x80000046;
	[dreg:$0x1] =	wrdreg $0xFFFFFFFF  }
0xa7: {  	s28 =	simm.s32 $_size_execute0_lowered;
	s3 =	sadd.s32 s3, s5;
	[dreg:$0x0] =	wrdreg $0x0  }
0xa8: {  	s5 =	sshll.u32 s28, $0x1;
	[dreg:$0x2] =	wrdreg s3  }
0xa9: {  	[dreg:$0x3] =	wrdreg s5  }
0xaa: {  	[dreg:$0x4] =	wrdreg $0xC0  }
0xab: {  	_ =	task [dreg:s7], $0x5FFFF  }
0xac: {  	[dreg:$0x1] =	wrdreg $0xFFFFFFFF  }
0xad: {  	[dreg:$0x0] =	wrdreg $0x60  }
0xae: {  	[dreg:$0x2] =	wrdreg s2  }
0xaf: {  	[dreg:$0x3] =	wrdreg s24  }
0xb0: {  	[dreg:$0x4] =	wrdreg $0x9  }
0xb1: {  	_ =	task.clear_ibuf [dreg:s7], $0x5FFFF;
	_ =	strace $0x90000046  }
0xb2: {  	s29 =	simm.s32 $0x9;
	_ =	strace $0x80000048  }
0xb3: {  	_ =	swait.ge [sflag:s29], $0x1  }
0xb4: {  	[sflag:s29] =	ssyncadd.s32 $0xFFFFFFFF  }
0xb5: {  	_ =	strace $0x90000048  }
0xb6: {  	_ =	sfence  }
0xb7: {  	s30 =	sld [smem:$0x0];
	_ =	sdelay $0x2  }
0xb8: {  	s31 =	sshll.u32 s1, $0xD;
	s1 =	sshrl.u32 s1, $0x2  }
0xb9: {  	s3 =	sand.u32 $0x4000, s31;
	s1 =	sadd.s32 s1, s30  }
0xba: {  	s0 =	sor.u32 s3, s0;
	s1 =	sshll.u32 s1, $0x11  }
0xbb: {  	s0 =	sor.u32 s1, s0  }
0xbc: {  	s0 =	sadd.s32 $0x8F2B, s0  }
0xbd: {  	[sflag:s0] =	ssyncadd.remote.s32 $0x1  }
0xbe: {  	_ =	sfence.sel $0xFFFF  }
0xbf: {  	[dreg:$0x0] =	wrdreg $0xFFFFFFFF;
	(pc) =	sbr.abs _section_cstart, $3  }
0xc0: {  	[dreg:$0x1] =	wrdreg $0xFFFFFFFF  }
0xc1: {  	_ =	task.clear_ibuf [dreg:s7], $0x2FFFF;
	_ =	strace $0x9FFFFFFF  }
0xc2: {  	(tm) =	ssettm $0x7FFFFFFF  }
0xc3: {  	_ =	shalt  }
tec
execute0_lowered:
.L_overlay_start_1:
0x0: {  	(tag) =	ssettag $0x1  }
0x1: {  	s1 =	srdreg.scid  }
0x2: {  	s0 =	stileid.u32;
	s3 =	rddreg [dreg:$0x0]  }
0x3: {  	s5 =	rddreg [dreg:$0x1];
	s2 =	simm.s32 $0x0;
	s9 =	simm.s32 $0x5000  }
0x4: {  	s10 =	simm.s32 $0x2;
	s11 =	simm.s32 $0x7800;
	s12 =	simm.s32 $0xA000  }
0x5: {  	s13 =	simm.s32 $0x1;
	s4 =	sand.u32 $0x1, s1;
	s30 =	sshll.u32 s0, $0x1  }
0x6: {  	s14 =	simm.s32 $0x0;
	s1 =	rddreg [dreg:$0x2];
	s6 =	sor.u32 s4, s30  }
0x7: {  	[smem:$0x7FF] =	sst s2;
	s7 =	ssub.s32 $0x2, s4;
	s6 =	smul.u32 $0xA00, s6  }
0x8: {  	_ =	strace $0x80000047;
	s4 =	sadd.s32 $0x1800, s5;
	s8 =	sshrl.u32 s7, $0x1  }
0x9: {  	s31 =	ssub.s32 s7, s8;
	s7 =	simm.s32 $0x80;
	s3 =	sadd.s32 s3, s6  }
0xa: {  	v0 =	vimm.f32 $1.000000000e+00;
	s8 =	simm.s32 $0x100;
	s6 =	smax.u32 s31, $0x1;
	s5 =	sadd.s32 $0x10, s3  }
.LBB2_1:
0xb: {  	s15 =	simm.s32 $0x40;
	s16 =	simm.s32 $0x0  }
.LBB2_2:
0xc: {  	p0 =	sne.s32 s15, $0x13FC0;
	[tilespmem:s16+$0x0] =	vst v0;
	s16 =	smov.u32 s15;
	s15 =	sadd.s32 $0x40, s15  }
.Ltmp0:
0xd: {  	(pc) =	sbr.rel @p0 .LBB2_2-.Ltmp0, $2  }
0xe: {  	_ =	sdelay $0x2  }
0xf: {  	s16 =	sshra.s32 s16, $0x2  }
0x10: {  	[tilespmem:s16+$0x0] =	vst v0  }
0x11: {  	[tilespmem:s9], [sflag:$0x2] =	stream.strided.gather [hbm4b:s3+s7], $0x2800, s8, s7, $0x38;
	[tilespmem:$0xF000] =	vst v63  }
0x12: {  	_ =	swait.ge [sflag:s10], $0x2800  }
0x13: {  	[sflag:s10] =	ssyncset.done $0x0  }
0x14: {  	[sflag:s10] =	ssyncadd.s32 $0xFFFFD800  }
0x15: {  	[tilespmem:s11], [sflag:$0x2] =	stream.strided.gather [hbm4b:s5+s7], $0x2800, s8, s7, $0x38;
	[tilespmem:$0xF000] =	vst v63  }
0x16: {  	_ =	swait.ge [sflag:s10], $0x2800  }
0x17: {  	[sflag:s10] =	ssyncset.done $0x0  }
0x18: {  	s15 =	simm.s32 $0x0;
	[sflag:s10] =	ssyncadd.s32 $0xFFFFD800  }
0x19: {  	v1 =	vld [tilespmem:s15+$0x5000];
	_ =	sdelay $0x1  }
0x1a: {  	v3 =	vld [tilespmem:s15+$0x7800];
	_ =	sdelay $0x2  }
0x1b: {  	v4 =	vmul.u32 $0x2800, v1;
	_ =	sdelay $0x1  }
0x1c: {  	s16 =	simm.s32 $0x40;
	s17 =	simm.s32 $0xA010;
	s15 =	simm.s32 $0xA010;
	v2 =	vmul.u32 $0x2800, v3;
	v3 =	vadd.s32 v3, v4  }
.LBB2_4:
0x1d: {  	p0 =	sne.s32 s16, $0x9FC0  }
0x1e: {  	[tilespmem:s15+$0xFFFFFFF0] =	vst v3;
	v1 =	vadd.s32 v1, v2;
	s17 =	sadd.s32 $0x20, s17;
	s18 =	smov.u32 s16;
	s16 =	sadd.s32 $0x40, s16  }
0x1f: {  	s18 =	sshra.s32 s18, $0x2;
	[tilespmem:s15+$0x0] =	vst v1;
	s15 =	smov.u32 s17  }
0x20: {  	v1 =	vld [tilespmem:s18+$0x5000]  }
0x21: {  	v3 =	vld [tilespmem:s18+$0x7800];
	_ =	sdelay $0x1  }
.Ltmp1:
0x22: {  	(pc) =	sbr.rel @p0 .LBB2_4-.Ltmp1, $4  }
0x23: {  	_ = 	snop  }
0x24: {  	v4 =	vmul.u32 $0x2800, v1  }
0x25: {  	v2 =	vmul.u32 $0x2800, v3  }
0x26: {  	v3 =	vadd.s32 v3, v4  }
0x27: {  	s14 =	sadd.s32 $0x1, s14  }
0x28: {  	[tilespmem:s15+$0xFFFFFFF0] =	vst v3;
	v1 =	vadd.s32 v1, v2;
	p0 =	sne.s32 s14, s6  }
.Ltmp2:
0x29: {  	[tilespmem:s15+$0x0] =	vst v1;
	(pc) =	sbr.rel @p0 .LBB2_1-.Ltmp2, $4  }
0x2a: {  	[hbm4b:s4+s9] =	stream.indirect.scatter [tilespmem:s2], [sflag:$0x1], $0x1, s12, s9, $0xb8;
	[tilespmem:$0xF000] =	vst v63  }
0x2b: {  	_ =	swait.ge [sflag:s13], $0x5000  }
0x2c: {  	[sflag:s13] =	ssyncset.done $0x0  }
0x2d: {  	[sflag:s13] =	ssyncadd.s32 $0xFFFFB000  }
0x2e: {  	_ =	sfence.sel $0x180000  }
0x2f: {  	[bflag:$0x0] =	sbarrier.arrive $0xFFFF  }
0x30: {  	p0 =	sne.s32 s0, $0x0;
	_ =	strace $0x90000047  }
0x31: {  	s0 =	sadd.s32 @!p0 $0x100000, s1;
	[bflag:$0x2] =	sbarrier.arrive $0xFFFF  }
0x32: {  	[sflag:s0] =	ssyncadd.tile.s32 @!p0 $0x1;
	_ =	shalt  }
.Lfunc_end2:
_tile_overlayer_lowered:
.L_overlay_start_2:
0x33: {  	(tag) =	ssettag $0x2  }
0x34: {  	s0 =	rddreg [dreg:$0x0];
	s2 =	stileid.u32  }
0x35: {  	s1 =	rddreg [dreg:$0x1];
	p0 =	sne.s32 s2, $0x0  }
0x36: {  	s3 =	rddreg [dreg:$0x2];
	[bflag:$0x3] =	sbarrier.arrive $0xFFFF;
	s2 =	simm.s32 @!p0 $0x1C02  }
0x37: {  	[timem:s3], [sflag:s2] =	dma.local @!p0 [hbm:s0], s1  }
0x38: {  	s0 =	simm.s32 @!p0 $0x2  }
0x39: {  	_ =	swait.ge @!p0 [sflag:s0], s1  }
0x3a: {  	s1 =	ssub.s32 @!p0 $0x0, s1;
	[sflag:s0] =	ssyncset.done @!p0 $0x0  }
0x3b: {  	[sflag:s0] =	ssyncadd.s32 @!p0 s1  }
0x3c: {  	[bflag:$0x3] =	sbarrier.arrive $0xFFFF  }
0x3d: {  	_ =	shalt  }

</sc_bundles>
